<compile_context>
chip_gen: v7x
topology: tpu7x:2x2x1
jax: 0.10.2.dev20260603
libtpu: 0.0.44.dev20260713+nightly
codegen_flags: <defaults>
</compile_context>

<pallas_src>
import functools

import jax
import jax.numpy as jnp
from jax import lax
from jax.experimental import pallas as pl
from jax.experimental.pallas import tpu as pltpu
from jax.experimental.pallas import tpu_sc as plsc

_NUM_EMB = 1024
_DIM = 64
_ROWS = 9216
_ROW_BLOCK = 1024
_NW = 32
_B_PER_W = _ROWS // _NW


def _argmin_body(z_ref, w_ref, idx_ref):
    zb = z_ref[...]
    wb = w_ref[...]
    mm2 = lax.dot_general(zb + zb, wb, (((1,), (1,)), ((), ())))
    sumz = jnp.sum(zb * zb, axis=1, keepdims=True)
    sw = jnp.sum(wb * wb, axis=1)
    chunk = 128
    m_run = (sumz - mm2[:, :chunk]) + sw[None, :chunk]
    id_run = jnp.zeros_like(m_run)
    for c in range(1, _NUM_EMB // chunk):
        d = (sumz - mm2[:, c * chunk:(c + 1) * chunk]) + sw[None, c * chunk:(c + 1) * chunk]
        upd = d < m_run
        m_run = jnp.where(upd, d, m_run)
        id_run = jnp.where(upd, float(c), id_run)
    mins = jnp.min(m_run, axis=1, keepdims=True)
    lane = lax.broadcasted_iota(jnp.int32, m_run.shape, 1).astype(jnp.float32)
    colidx = id_run * float(chunk) + lane
    cand = jnp.where(m_run == mins, colidx, float(_NUM_EMB))
    idx_ref[...] = jnp.min(cand, axis=1).astype(jnp.int32)


def _tc_argmin(zf, W, interpret=False):
    grid = _ROWS // _ROW_BLOCK
    return pl.pallas_call(
        _argmin_body,
        grid=(grid,),
        in_specs=[
            pl.BlockSpec((_ROW_BLOCK, _DIM), lambda i: (i, 0)),
            pl.BlockSpec((_NUM_EMB, _DIM), lambda i: (0, 0)),
        ],
        out_specs=pl.BlockSpec((_ROW_BLOCK,), lambda i: (i,)),
        out_shape=jax.ShapeDtypeStruct((_ROWS,), jnp.int32),
        interpret=interpret,
    )(zf, W)


@functools.lru_cache(maxsize=1)
def _make_sc_gather():
    mesh = plsc.VectorSubcoreMesh(core_axis_name="c", subcore_axis_name="s")

    @functools.partial(
        pl.kernel,
        mesh=mesh,
        out_type=jax.ShapeDtypeStruct((_ROWS, _DIM), jnp.float32),
        scratch_types=[
            pltpu.VMEM((_B_PER_W,), jnp.int32),
            pltpu.VMEM((_B_PER_W, _DIM), jnp.float32),
            pltpu.SemaphoreType.DMA,
        ],
        compiler_params=pltpu.CompilerParams(use_tc_tiling_on_sc=False),
    )
    def _sc_gather(table_hbm, idx_hbm, out_hbm, idx_v, rows_v, sem):
        wid = lax.axis_index("s") * 2 + lax.axis_index("c")
        base = wid * _B_PER_W
        pltpu.sync_copy(idx_hbm.at[pl.ds(base, _B_PER_W)], idx_v)
        pltpu.async_copy(table_hbm.at[idx_v], rows_v, sem).wait()
        pltpu.sync_copy(rows_v, out_hbm.at[pl.ds(base, _B_PER_W)])

    return _sc_gather


def kernel(z, W):
    zf = z.reshape(-1, _DIM)
    idx = _tc_argmin(zf, W)
    zq = _make_sc_gather()(W, idx)
    return zq.reshape(z.shape), idx

# --- scband reference (transcript-rebuilt; emitter-appended) ---
"""Pipeline reference for scband-vector-quantizer-32547262169387 (READ-ONLY COPY).

The authoritative reference and input builder live on the scoring server;
editing this copy changes nothing except your own understanding.
"""

import jax, jax.numpy as jnp
import numpy as np

NUM_EMBEDDINGS = 1024
EMBEDDING_DIM = 64

def setup_inputs(seed: int = 0) -> dict:
    key = jax.random.key(seed)
    k1, k2 = jax.random.split(key)
    z = jax.random.normal(k1, (16, 576, EMBEDDING_DIM), dtype=jnp.float32)
    W = jax.random.uniform(k2, (NUM_EMBEDDINGS, EMBEDDING_DIM), dtype=jnp.float32,
                           minval=-1.0 / NUM_EMBEDDINGS, maxval=1.0 / NUM_EMBEDDINGS)
    return {"z": z, "W": W}

def reference(z, W):
    z_flattened = z.reshape(-1, z.shape[-1])
    distances = (jnp.sum(z_flattened ** 2, axis=1, keepdims=True)
                 - 2.0 * jnp.matmul(z_flattened, W.T)
                 + jnp.sum(W ** 2, axis=1))
    min_indices = jnp.argmin(distances, axis=1)
    z_q = jnp.take(W, min_indices, axis=0).reshape(z.shape)
    return (z_q, min_indices)

if __name__ == "__main__":
    import jax
    _d = setup_inputs()
    print(jax.jit(kernel)(*tuple(_d.values())))

</pallas_src>

<mosaic_0001>
#map = affine_map<(d0, d1) -> (0, 0)>
#map1 = affine_map<(d0, d1) -> (0)>
module attributes {stable_mosaic.version = 14 : i64} {
  func.func @_sc_gather(%arg0: i32, %arg1: i32, %arg2: memref<1024x64xf32, #tpu.memory_space<hbm>>, %arg3: memref<9216xi32, #tpu.memory_space<hbm>>, %arg4: memref<9216x64xf32, #tpu.memory_space<hbm>>, %arg5: memref<288xi32, #tpu.memory_space<vmem>>, %arg6: memref<288x64xf32, #tpu.memory_space<vmem>>, %arg7: memref<!tpu.dma_semaphore, #tpu.memory_space<semaphore_mem>>) attributes {dimension_semantics = [#tpu.dimension_semantics<core_parallel>, #tpu.dimension_semantics<subcore_parallel>], iteration_bounds = array<i64: 2, 16>, scalar_prefetch = 0 : i64, scratch_operands = 3 : i64, tpu.core_type = #tpu.core_type<sc_vector_subcore>, window_params = [{transform_indices = #map}, {transform_indices = #map1}, {transform_indices = #map}]} {
    %mul3A = arith.constant 2 : i32
    %mul3A_0 = arith.muli %arg1, %mul3A : i32
    %add3A = arith.addi %mul3A_0, %arg0 : i32
    %mul3A_1 = arith.constant 288 : i32
    %mul3A_2 = arith.muli %add3A, %mul3A_1 : i32
    "tpu.region"() ({
      %run_scoped3A = tpu.sem_alloc : memref<!tpu.dma_semaphore, #tpu.memory_space<semaphore_mem>>
      %dma_start3A_7 = tpu.memref_slice %arg3[%mul3A_2] : memref<9216xi32, #tpu.memory_space<hbm>> -> memref<288xi32, #tpu.memory_space<hbm>>
      %dma_start3A_8 = tpu.memref_slice %arg3[%mul3A_2] : memref<9216xi32, #tpu.memory_space<hbm>> -> memref<288xi32, #tpu.memory_space<hbm>>
      tpu.enqueue_dma source(%dma_start3A_8 : memref<288xi32, #tpu.memory_space<hbm>>) target(%arg5 : memref<288xi32, #tpu.memory_space<vmem>>) target_semaphore(%run_scoped3A : memref<!tpu.dma_semaphore, #tpu.memory_space<semaphore_mem>>)
      %dma_wait3A_9 = tpu.memref_slice %arg3[%mul3A_2] : memref<9216xi32, #tpu.memory_space<hbm>> -> memref<288xi32, #tpu.memory_space<hbm>>
      %dma_wait3A_10 = tpu.memref_slice %arg3[%mul3A_2] : memref<9216xi32, #tpu.memory_space<hbm>> -> memref<288xi32, #tpu.memory_space<hbm>>
      tpu.wait_dma2 semaphore(%run_scoped3A : memref<!tpu.dma_semaphore, #tpu.memory_space<semaphore_mem>>) src(%dma_wait3A_10 : memref<288xi32, #tpu.memory_space<hbm>>) dst(%arg5 : memref<288xi32, #tpu.memory_space<vmem>>)
      tpu.yield
    }) : () -> ()
    %dma_start3A = arith.constant 0 : i32
    %dma_start3A_3 = arith.constant 0 : i32
    %dma_start3A_4 = tpu.memref_slice %arg2[%dma_start3A, %dma_start3A_3] : memref<1024x64xf32, #tpu.memory_space<hbm>> -> memref<1024x64xf32, #tpu.memory_space<hbm>>
    tpu.enqueue_indirect_dma source(%dma_start3A_4 : memref<1024x64xf32, #tpu.memory_space<hbm>>) target(%arg6 : memref<288x64xf32, #tpu.memory_space<vmem>>) offsets(%arg5 : memref<288xi32, #tpu.memory_space<vmem>>) semaphore(%arg7 : memref<!tpu.dma_semaphore, #tpu.memory_space<semaphore_mem>>)
    %dma_wait3A = arith.constant 0 : i32
    %dma_wait3A_5 = arith.constant 0 : i32
    %dma_wait3A_6 = tpu.memref_slice %arg2[%dma_wait3A, %dma_wait3A_5] : memref<1024x64xf32, #tpu.memory_space<hbm>> -> memref<1024x64xf32, #tpu.memory_space<hbm>>
    tpu.wait_indirect_dma semaphore(%arg7 : memref<!tpu.dma_semaphore, #tpu.memory_space<semaphore_mem>>) src(%dma_wait3A_6 : memref<1024x64xf32, #tpu.memory_space<hbm>>) dst(%arg6 : memref<288x64xf32, #tpu.memory_space<vmem>>)
    "tpu.region"() ({
      %run_scoped3A = tpu.sem_alloc : memref<!tpu.dma_semaphore, #tpu.memory_space<semaphore_mem>>
      %dma_start3A_7 = arith.constant 0 : i32
      %dma_start3A_8 = tpu.memref_slice %arg4[%mul3A_2, %dma_start3A_7] : memref<9216x64xf32, #tpu.memory_space<hbm>> -> memref<288x64xf32, #tpu.memory_space<hbm>>
      %dma_start3A_9 = arith.constant 0 : i32
      %dma_start3A_10 = tpu.memref_slice %arg4[%mul3A_2, %dma_start3A_9] : memref<9216x64xf32, #tpu.memory_space<hbm>> -> memref<288x64xf32, #tpu.memory_space<hbm>>
      tpu.enqueue_dma source(%arg6 : memref<288x64xf32, #tpu.memory_space<vmem>>) target(%dma_start3A_10 : memref<288x64xf32, #tpu.memory_space<hbm>>) target_semaphore(%run_scoped3A : memref<!tpu.dma_semaphore, #tpu.memory_space<semaphore_mem>>)
      %dma_wait3A_11 = arith.constant 0 : i32
      %dma_wait3A_12 = tpu.memref_slice %arg4[%mul3A_2, %dma_wait3A_11] : memref<9216x64xf32, #tpu.memory_space<hbm>> -> memref<288x64xf32, #tpu.memory_space<hbm>>
      %dma_wait3A_13 = arith.constant 0 : i32
      %dma_wait3A_14 = tpu.memref_slice %arg4[%mul3A_2, %dma_wait3A_13] : memref<9216x64xf32, #tpu.memory_space<hbm>> -> memref<288x64xf32, #tpu.memory_space<hbm>>
      tpu.wait_dma2 semaphore(%run_scoped3A : memref<!tpu.dma_semaphore, #tpu.memory_space<semaphore_mem>>) src(%arg6 : memref<288x64xf32, #tpu.memory_space<vmem>>) dst(%dma_wait3A_14 : memref<288x64xf32, #tpu.memory_space<hbm>>)
      tpu.yield
    }) : () -> ()
    return
  }
}

module attributes {stable_mosaic.version = 14 : i64} {
  func.func @_argmin_body(%arg0: i32, %arg1: memref<1024x64xf32, #tpu.memory_space<vmem>>, %arg2: memref<1024x64xf32, #tpu.memory_space<vmem>>, %arg3: memref<1024xi32, #tpu.memory_space<vmem>>) attributes {dimension_semantics = [#tpu.dimension_semantics<arbitrary>], iteration_bounds = array<i64: 9>, scalar_prefetch = 0 : i64, scratch_operands = 0 : i64, tpu.core_type = #tpu.core_type<tc>, window_params = [{transform_indices = @transform_0, window_bounds = array<i64: 1024, 64>}, {pipeline_mode = #tpu.pipeline_mode<synchronous>, transform_indices = @transform_1, window_bounds = array<i64: 1024, 64>}, {transform_indices = @transform_2, window_bounds = array<i64: 1024>}]} {
    %get3A = arith.constant 0 : index
    %get3A_0 = arith.constant 0 : index
    %get3A_1 = vector.load %arg1[%get3A, %get3A_0] : memref<1024x64xf32, #tpu.memory_space<vmem>>, vector<1024x64xf32>
    %get3A_2 = arith.constant 0 : index
    %get3A_3 = arith.constant 0 : index
    %get3A_4 = vector.load %arg2[%get3A_2, %get3A_3] : memref<1024x64xf32, #tpu.memory_space<vmem>>, vector<1024x64xf32>
    %add3A = arith.addf %get3A_1, %get3A_1 : vector<1024x64xf32>
    %dot_general3A = arith.constant dense<0.000000e+00> : vector<1024x1024xf32>
    %dot_general3A_5 = tpu.matmul %add3A, %get3A_4, %dot_general3A {dimension_numbers = #tpu.dot_dimension_numbers<[1], [1], [0], [0], [0, 0, 1, 0], [], []>, transpose_lhs_hint = false} : vector<1024x64xf32>, vector<1024x64xf32>, vector<1024x1024xf32> -> vector<1024x1024xf32>
    %mul3A = arith.mulf %get3A_1, %get3A_1 : vector<1024x64xf32>
    %reduce_sum3A = arith.constant dense<0.000000e+00> : vector<1024xf32>
    %reduce_sum3A_6 = vector.multi_reduction <add>, %mul3A, %reduce_sum3A [1] : vector<1024x64xf32> to vector<1024xf32>
    %broadcast_in_dim3A = vector.shape_cast %reduce_sum3A_6 : vector<1024xf32> to vector<1024x1xf32>
    %mul3A_7 = arith.mulf %get3A_4, %get3A_4 : vector<1024x64xf32>
    %reduce_sum3A_8 = arith.constant dense<0.000000e+00> : vector<1024xf32>
    %reduce_sum3A_9 = vector.multi_reduction <add>, %mul3A_7, %reduce_sum3A_8 [1] : vector<1024x64xf32> to vector<1024xf32>
    %slice3A = vector.extract_strided_slice %dot_general3A_5 {offsets = [0, 0], sizes = [1024, 128], strides = [1, 1]} : vector<1024x1024xf32> to vector<1024x128xf32>
    %sub3A = vector.broadcast %broadcast_in_dim3A : vector<1024x1xf32> to vector<1024x128xf32>
    %sub3A_10 = arith.subf %sub3A, %slice3A : vector<1024x128xf32>
    %slice3A_11 = vector.extract_strided_slice %reduce_sum3A_9 {offsets = [0], sizes = [128], strides = [1]} : vector<1024xf32> to vector<128xf32>
    %broadcast_in_dim3A_12 = vector.shape_cast %slice3A_11 : vector<128xf32> to vector<1x128xf32>
    %add3A_13 = vector.broadcast %broadcast_in_dim3A_12 : vector<1x128xf32> to vector<1024x128xf32>
    %add3A_14 = arith.addf %sub3A_10, %add3A_13 : vector<1024x128xf32>
    %broadcast_in_dim3A_15 = arith.constant 0.000000e+00 : f32
    %broadcast_in_dim3A_16 = vector.broadcast %broadcast_in_dim3A_15 : f32 to vector<1024x128xf32>
    %slice3A_17 = vector.extract_strided_slice %dot_general3A_5 {offsets = [0, 128], sizes = [1024, 128], strides = [1, 1]} : vector<1024x1024xf32> to vector<1024x128xf32>
    %sub3A_18 = vector.broadcast %broadcast_in_dim3A : vector<1024x1xf32> to vector<1024x128xf32>
    %sub3A_19 = arith.subf %sub3A_18, %slice3A_17 : vector<1024x128xf32>
    %slice3A_20 = vector.extract_strided_slice %reduce_sum3A_9 {offsets = [128], sizes = [128], strides = [1]} : vector<1024xf32> to vector<128xf32>
    %broadcast_in_dim3A_21 = vector.shape_cast %slice3A_20 : vector<128xf32> to vector<1x128xf32>
    %add3A_22 = vector.broadcast %broadcast_in_dim3A_21 : vector<1x128xf32> to vector<1024x128xf32>
    %add3A_23 = arith.addf %sub3A_19, %add3A_22 : vector<1024x128xf32>
    %lt3A = arith.cmpf olt, %add3A_23, %add3A_14 : vector<1024x128xf32>
    %select_n3A = arith.select %lt3A, %add3A_23, %add3A_14 : vector<1024x128xi1>, vector<1024x128xf32>
    %jit3A = arith.constant 1.000000e+00 : f32
    %broadcast_in_dim3A_24 = vector.broadcast %jit3A : f32 to vector<1024x128xf32>
    %select_n3A_25 = arith.select %lt3A, %broadcast_in_dim3A_24, %broadcast_in_dim3A_16 : vector<1024x128xi1>, vector<1024x128xf32>
    %slice3A_26 = vector.extract_strided_slice %dot_general3A_5 {offsets = [0, 256], sizes = [1024, 128], strides = [1, 1]} : vector<1024x1024xf32> to vector<1024x128xf32>
    %sub3A_27 = vector.broadcast %broadcast_in_dim3A : vector<1024x1xf32> to vector<1024x128xf32>
    %sub3A_28 = arith.subf %sub3A_27, %slice3A_26 : vector<1024x128xf32>
    %slice3A_29 = vector.extract_strided_slice %reduce_sum3A_9 {offsets = [256], sizes = [128], strides = [1]} : vector<1024xf32> to vector<128xf32>
    %broadcast_in_dim3A_30 = vector.shape_cast %slice3A_29 : vector<128xf32> to vector<1x128xf32>
    %add3A_31 = vector.broadcast %broadcast_in_dim3A_30 : vector<1x128xf32> to vector<1024x128xf32>
    %add3A_32 = arith.addf %sub3A_28, %add3A_31 : vector<1024x128xf32>
    %lt3A_33 = arith.cmpf olt, %add3A_32, %select_n3A : vector<1024x128xf32>
    %select_n3A_34 = arith.select %lt3A_33, %add3A_32, %select_n3A : vector<1024x128xi1>, vector<1024x128xf32>
    %jit3A_35 = arith.constant 2.000000e+00 : f32
    %broadcast_in_dim3A_36 = vector.broadcast %jit3A_35 : f32 to vector<1024x128xf32>
    %select_n3A_37 = arith.select %lt3A_33, %broadcast_in_dim3A_36, %select_n3A_25 : vector<1024x128xi1>, vector<1024x128xf32>
    %slice3A_38 = vector.extract_strided_slice %dot_general3A_5 {offsets = [0, 384], sizes = [1024, 128], strides = [1, 1]} : vector<1024x1024xf32> to vector<1024x128xf32>
    %sub3A_39 = vector.broadcast %broadcast_in_dim3A : vector<1024x1xf32> to vector<1024x128xf32>
    %sub3A_40 = arith.subf %sub3A_39, %slice3A_38 : vector<1024x128xf32>
    %slice3A_41 = vector.extract_strided_slice %reduce_sum3A_9 {offsets = [384], sizes = [128], strides = [1]} : vector<1024xf32> to vector<128xf32>
    %broadcast_in_dim3A_42 = vector.shape_cast %slice3A_41 : vector<128xf32> to vector<1x128xf32>
    %add3A_43 = vector.broadcast %broadcast_in_dim3A_42 : vector<1x128xf32> to vector<1024x128xf32>
    %add3A_44 = arith.addf %sub3A_40, %add3A_43 : vector<1024x128xf32>
    %lt3A_45 = arith.cmpf olt, %add3A_44, %select_n3A_34 : vector<1024x128xf32>
    %select_n3A_46 = arith.select %lt3A_45, %add3A_44, %select_n3A_34 : vector<1024x128xi1>, vector<1024x128xf32>
    %jit3A_47 = arith.constant 3.000000e+00 : f32
    %broadcast_in_dim3A_48 = vector.broadcast %jit3A_47 : f32 to vector<1024x128xf32>
    %select_n3A_49 = arith.select %lt3A_45, %broadcast_in_dim3A_48, %select_n3A_37 : vector<1024x128xi1>, vector<1024x128xf32>
    %slice3A_50 = vector.extract_strided_slice %dot_general3A_5 {offsets = [0, 512], sizes = [1024, 128], strides = [1, 1]} : vector<1024x1024xf32> to vector<1024x128xf32>
    %sub3A_51 = vector.broadcast %broadcast_in_dim3A : vector<1024x1xf32> to vector<1024x128xf32>
    %sub3A_52 = arith.subf %sub3A_51, %slice3A_50 : vector<1024x128xf32>
    %slice3A_53 = vector.extract_strided_slice %reduce_sum3A_9 {offsets = [512], sizes = [128], strides = [1]} : vector<1024xf32> to vector<128xf32>
    %broadcast_in_dim3A_54 = vector.shape_cast %slice3A_53 : vector<128xf32> to vector<1x128xf32>
    %add3A_55 = vector.broadcast %broadcast_in_dim3A_54 : vector<1x128xf32> to vector<1024x128xf32>
    %add3A_56 = arith.addf %sub3A_52, %add3A_55 : vector<1024x128xf32>
    %lt3A_57 = arith.cmpf olt, %add3A_56, %select_n3A_46 : vector<1024x128xf32>
    %select_n3A_58 = arith.select %lt3A_57, %add3A_56, %select_n3A_46 : vector<1024x128xi1>, vector<1024x128xf32>
    %jit3A_59 = arith.constant 4.000000e+00 : f32
    %broadcast_in_dim3A_60 = vector.broadcast %jit3A_59 : f32 to vector<1024x128xf32>
    %select_n3A_61 = arith.select %lt3A_57, %broadcast_in_dim3A_60, %select_n3A_49 : vector<1024x128xi1>, vector<1024x128xf32>
    %slice3A_62 = vector.extract_strided_slice %dot_general3A_5 {offsets = [0, 640], sizes = [1024, 128], strides = [1, 1]} : vector<1024x1024xf32> to vector<1024x128xf32>
    %sub3A_63 = vector.broadcast %broadcast_in_dim3A : vector<1024x1xf32> to vector<1024x128xf32>
    %sub3A_64 = arith.subf %sub3A_63, %slice3A_62 : vector<1024x128xf32>
    %slice3A_65 = vector.extract_strided_slice %reduce_sum3A_9 {offsets = [640], sizes = [128], strides = [1]} : vector<1024xf32> to vector<128xf32>
    %broadcast_in_dim3A_66 = vector.shape_cast %slice3A_65 : vector<128xf32> to vector<1x128xf32>
    %add3A_67 = vector.broadcast %broadcast_in_dim3A_66 : vector<1x128xf32> to vector<1024x128xf32>
    %add3A_68 = arith.addf %sub3A_64, %add3A_67 : vector<1024x128xf32>
    %lt3A_69 = arith.cmpf olt, %add3A_68, %select_n3A_58 : vector<1024x128xf32>
    %select_n3A_70 = arith.select %lt3A_69, %add3A_68, %select_n3A_58 : vector<1024x128xi1>, vector<1024x128xf32>
    %jit3A_71 = arith.constant 5.000000e+00 : f32
    %broadcast_in_dim3A_72 = vector.broadcast %jit3A_71 : f32 to vector<1024x128xf32>
    %select_n3A_73 = arith.select %lt3A_69, %broadcast_in_dim3A_72, %select_n3A_61 : vector<1024x128xi1>, vector<1024x128xf32>
    %slice3A_74 = vector.extract_strided_slice %dot_general3A_5 {offsets = [0, 768], sizes = [1024, 128], strides = [1, 1]} : vector<1024x1024xf32> to vector<1024x128xf32>
    %sub3A_75 = vector.broadcast %broadcast_in_dim3A : vector<1024x1xf32> to vector<1024x128xf32>
    %sub3A_76 = arith.subf %sub3A_75, %slice3A_74 : vector<1024x128xf32>
    %slice3A_77 = vector.extract_strided_slice %reduce_sum3A_9 {offsets = [768], sizes = [128], strides = [1]} : vector<1024xf32> to vector<128xf32>
    %broadcast_in_dim3A_78 = vector.shape_cast %slice3A_77 : vector<128xf32> to vector<1x128xf32>
    %add3A_79 = vector.broadcast %broadcast_in_dim3A_78 : vector<1x128xf32> to vector<1024x128xf32>
    %add3A_80 = arith.addf %sub3A_76, %add3A_79 : vector<1024x128xf32>
    %lt3A_81 = arith.cmpf olt, %add3A_80, %select_n3A_70 : vector<1024x128xf32>
    %select_n3A_82 = arith.select %lt3A_81, %add3A_80, %select_n3A_70 : vector<1024x128xi1>, vector<1024x128xf32>
    %jit3A_83 = arith.constant 6.000000e+00 : f32
    %broadcast_in_dim3A_84 = vector.broadcast %jit3A_83 : f32 to vector<1024x128xf32>
    %select_n3A_85 = arith.select %lt3A_81, %broadcast_in_dim3A_84, %select_n3A_73 : vector<1024x128xi1>, vector<1024x128xf32>
    %slice3A_86 = vector.extract_strided_slice %dot_general3A_5 {offsets = [0, 896], sizes = [1024, 128], strides = [1, 1]} : vector<1024x1024xf32> to vector<1024x128xf32>
    %sub3A_87 = vector.broadcast %broadcast_in_dim3A : vector<1024x1xf32> to vector<1024x128xf32>
    %sub3A_88 = arith.subf %sub3A_87, %slice3A_86 : vector<1024x128xf32>
    %slice3A_89 = vector.extract_strided_slice %reduce_sum3A_9 {offsets = [896], sizes = [128], strides = [1]} : vector<1024xf32> to vector<128xf32>
    %broadcast_in_dim3A_90 = vector.shape_cast %slice3A_89 : vector<128xf32> to vector<1x128xf32>
    %add3A_91 = vector.broadcast %broadcast_in_dim3A_90 : vector<1x128xf32> to vector<1024x128xf32>
    %add3A_92 = arith.addf %sub3A_88, %add3A_91 : vector<1024x128xf32>
    %lt3A_93 = arith.cmpf olt, %add3A_92, %select_n3A_82 : vector<1024x128xf32>
    %select_n3A_94 = arith.select %lt3A_93, %add3A_92, %select_n3A_82 : vector<1024x128xi1>, vector<1024x128xf32>
    %jit3A_95 = arith.constant 7.000000e+00 : f32
    %broadcast_in_dim3A_96 = vector.broadcast %jit3A_95 : f32 to vector<1024x128xf32>
    %select_n3A_97 = arith.select %lt3A_93, %broadcast_in_dim3A_96, %select_n3A_85 : vector<1024x128xi1>, vector<1024x128xf32>
    %reduce_min3A = arith.constant dense<0x7F800000> : vector<1024xf32>
    %reduce_min3A_98 = vector.multi_reduction <minimumf>, %select_n3A_94, %reduce_min3A [1] : vector<1024x128xf32> to vector<1024xf32>
    %broadcast_in_dim3A_99 = vector.shape_cast %reduce_min3A_98 : vector<1024xf32> to vector<1024x1xf32>
    %iota3A = tpu.iota {dimensions = array<i32: 1>} : vector<1024x128xi32>
    %convert_element_type3A = arith.sitofp %iota3A : vector<1024x128xi32> to vector<1024x128xf32>
    %mul3A_100 = arith.constant 1.280000e+02 : f32
    %mul3A_101 = vector.broadcast %mul3A_100 : f32 to vector<1024x128xf32>
    %mul3A_102 = arith.mulf %select_n3A_97, %mul3A_101 : vector<1024x128xf32>
    %add3A_103 = arith.addf %mul3A_102, %convert_element_type3A : vector<1024x128xf32>
    %eq3A = vector.broadcast %broadcast_in_dim3A_99 : vector<1024x1xf32> to vector<1024x128xf32>
    %eq3A_104 = arith.cmpf oeq, %select_n3A_94, %eq3A : vector<1024x128xf32>
    %jit3A_105 = arith.constant 1.024000e+03 : f32
    %broadcast_in_dim3A_106 = vector.broadcast %jit3A_105 : f32 to vector<1024x128xf32>
    %select_n3A_107 = arith.select %eq3A_104, %add3A_103, %broadcast_in_dim3A_106 : vector<1024x128xi1>, vector<1024x128xf32>
    %reduce_min3A_108 = arith.constant dense<0x7F800000> : vector<1024xf32>
    %reduce_min3A_109 = vector.multi_reduction <minimumf>, %select_n3A_107, %reduce_min3A_108 [1] : vector<1024x128xf32> to vector<1024xf32>
    %convert_element_type3A_110 = arith.fptosi %reduce_min3A_109 : vector<1024xf32> to vector<1024xi32>
    %swap3A = arith.constant 0 : index
    %swap3A_111 = vector.load %arg3[%swap3A] : memref<1024xi32, #tpu.memory_space<vmem>>, vector<1024xi32>
    tpu.vector_store %arg3[%swap3A], %convert_element_type3A_110 {strides = array<i32>} : memref<1024xi32, #tpu.memory_space<vmem>>, vector<1024xi32>,
    return
  }
  func.func @transform_0(%arg0: i32) -> (i32, i32) {
    %c0_i32 = arith.constant 0 : i32
    %c0_i32_0 = arith.constant 0 : i32
    return %arg0, %c0_i32 : i32, i32
  }
  func.func @transform_1(%arg0: i32) -> (i32, i32) {
    %c0_i32 = arith.constant 0 : i32
    %c0_i32_0 = arith.constant 0 : i32
    %c0_i32_1 = arith.constant 0 : i32
    return %c0_i32, %c0_i32_0 : i32, i32
  }
  func.func @transform_2(%arg0: i32) -> i32 {
    %c0_i32 = arith.constant 0 : i32
    return %arg0 : i32
  }
}

</mosaic_0001>

<sc_bundles>
// kernel: kernel.4.cloned.1.call-start
scs
__scs_entry_jumppad:
0x0: {  	(pc) =	sbr.rel $0x88, $3  }
0x1: {  	(tag) =	ssettag $0x0;
	lr =	simm.s32 $0x1  }
0x2: {  	[smem:$0x3F9F] =	sst lr;
	_ =	strace $0xD0000000  }
0x3: {  	_ = 	snop  }
0x4: {  	_ = 	snop  }
0x5: {  	_ = 	snop  }
0x6: {  	_ = 	snop  }
0x7: {  	_ = 	snop  }
__scs_overlays_trampoline_lowered:
0x8: {  	[smem:$0x3FAE] =	sst s0  }
0x9: {  	[smem:$0x3FAF] =	sst s1  }
0xa: {  	[smem:$0x3FB0] =	sst s2  }
0xb: {  	[smem:$0x3FB1] =	sst s3  }
0xc: {  	[smem:$0x3FB2] =	sst s4  }
0xd: {  	[smem:$0x3FB3] =	sst s5  }
0xe: {  	[smem:$0x3FB4] =	sst s6  }
0xf: {  	[smem:$0x3FB5] =	sst s7  }
0x10: {  	[smem:$0x3FB6] =	sst s8  }
0x11: {  	[smem:$0x3FB7] =	sst s9;
	s0 =	simm.s32 @!p0 $0x0  }
0x12: {  	s1 =	sld [smem:$0x3F9D];
	s0 =	simm.s32 @p0 $0x1  }
0x13: {  	[smem:$0x3FB8] =	sst s0;
	s0 =	simm.s32 @!p1 $0x0  }
0x14: {  	s2 =	sld [smem:$0x3F9C];
	s0 =	simm.s32 @p1 $0x1  }
0x15: {  	[smem:$0x3FB9] =	sst s0;
	s0 =	simm.s32 @!p2 $0x0  }
0x16: {  	s3 =	sld [smem:$0x3FDB];
	s0 =	simm.s32 @p2 $0x1  }
0x17: {  	s4 =	simm.s32 $0x1BF5;
	[smem:$0x3FBB] =	sst s0  }
0x18: {  	s0 =	sld [smem:$0x3F9E];
	_ =	swait.ge [sflag:s4], $0x0  }
0x19: {  	s7 =	sld [smem:$0x3F9F]  }
0x1a: {  	s8 =	sadd.s32 $0xFFFFE003, lr  }
0x1b: {  	s9 =	sadd.s32 $0xFFFFFEF7, lr;
	s5 =	simm.s32 $0xFFFFFFFF;
	p2 =	slt.u32 s8, $0xFFFFF086  }
0x1c: {  	p1 =	slt.u32 s9, $0xF7A;
	s5 =	simm.s32 @!p2 $0x0  }
0x1d: {  	s5 =	simm.s32 @p1 $0x1;
	p0 =	seq.s32 s7, s2  }
0x1e: {  	s7 =	smul.u32 @!p0 $0xF7A, s2;
	p2 =	seq.s32 @!p0 s5, $0x0  }
0x1f: {  	s9 =	smul.u32 $0xF7A, s1;
	s8 =	simm.s32 @!p0 $0x1BF5;
	p2 =	por !p2, p0  }
0x20: {  	[sflag:s8] =	ssyncset.s32 @!p0 $0xFFFFF086;
	s6 =	sadd.s32 @!p0 s3, s7;
	s7 =	simm.s32 @!p0 $0x108  }
0x21: {  	s3 =	sadd.s32 s3, s9;
	s6 =	sadd.s32 @!p0 $0x88, s6;
	s7 =	simm.s32 @p2 $0x1082  }
0x22: {  	[simem:s7], [sflag:s8] =	dma.local @!p0 [hbm:s6], $0xF7A  }
0x23: {  	s9 =	sor.u32 $0xD0000000, s2;
	s6 =	simm.s32 $0x108;
	_ =	swait.ge @!p0 [sflag:s8], $0x0  }
0x24: {  	s3 =	sadd.s32 $0x88, s3;
	s6 =	simm.s32 @!p1 $0x1082;
	[sflag:s4] =	ssyncset.s32 $0xFFFFF086  }
0x25: {  	[simem:s6], [sflag:s4] =	dma.local [hbm:s3], $0xF7A  }
0x26: {  	[smem:$0x3F9F] =	sst s1;
	(tag) =	ssettag s2;
	_ =	strace s9  }
0x27: {  	s1 =	sld [smem:$0x3FAF]  }
0x28: {  	s2 =	sld [smem:$0x3FB0]  }
0x29: {  	s4 =	sld [smem:$0x3FB2]  }
0x2a: {  	p0 =	seq.s32 s5, $0x0;
	s5 =	sld [smem:$0x3FB3]  }
0x2b: {  	s6 =	sld [smem:$0x3FB4]  }
0x2c: {  	s7 =	sld [smem:$0x3FB5]  }
0x2d: {  	s3 =	simm.s32 $0x108;
	s8 =	sld [smem:$0x3FB6]  }
0x2e: {  	s3 =	simm.s32 @!p0 $0x1082;
	s9 =	sld [smem:$0x3FB7]  }
0x2f: {  	lr =	sadd.s32 s0, s3;
	s0 =	sld [smem:$0x3FAE]  }
0x30: {  	s3 =	sld [smem:$0x3FB1]  }
0x31: {  	[smem:$0x3FBA] =	sst s10  }
0x32: {  	s10 =	sld [smem:$0x3FB8];
	_ =	sdelay $0x3  }
0x33: {  	p0 =	seq.s32 s10, $0x1;
	s10 =	sld [smem:$0x3FBA];
	_ =	sdelay $0x3  }
0x34: {  	[smem:$0x3FBA] =	sst s10  }
0x35: {  	s10 =	sld [smem:$0x3FB9];
	_ =	sdelay $0x3  }
0x36: {  	p1 =	seq.s32 s10, $0x1;
	s10 =	sld [smem:$0x3FBA];
	_ =	sdelay $0x3  }
0x37: {  	[smem:$0x3FBA] =	sst s10  }
0x38: {  	s10 =	sld [smem:$0x3FBB]  }
0x39: {  	_ = 	snop;
	(pc) =	sbr.ind lr, $3  }
0x3a: {  	_ = 	snop  }
0x3b: {  	_ = 	snop  }
0x3c: {  	p2 =	seq.s32 s10, $0x1;
	s10 =	sld [smem:$0x3FBA]  }
0x3d: {  	_ =	shalt  }
0x3e: {  	_ =	shalt  }
0x3f: {  	_ =	shalt  }
0x40: {  	_ =	shalt  }
0x41: {  	_ =	shalt  }
0x42: {  	_ =	shalt  }
0x43: {  	_ =	shalt  }
0x44: {  	_ =	shalt  }
0x45: {  	_ =	shalt  }
0x46: {  	_ =	shalt  }
0x47: {  	_ =	shalt  }
0x48: {  	_ =	shalt  }
0x49: {  	_ =	shalt  }
0x4a: {  	_ =	shalt  }
0x4b: {  	_ =	shalt  }
0x4c: {  	_ =	shalt  }
0x4d: {  	_ =	shalt  }
0x4e: {  	_ =	shalt  }
0x4f: {  	_ =	shalt  }
0x50: {  	_ =	shalt  }
0x51: {  	_ =	shalt  }
0x52: {  	_ =	shalt  }
0x53: {  	_ =	shalt  }
0x54: {  	_ =	shalt  }
0x55: {  	_ =	shalt  }
0x56: {  	_ =	shalt  }
0x57: {  	_ =	shalt  }
0x58: {  	_ =	shalt  }
0x59: {  	_ =	shalt  }
0x5a: {  	_ =	shalt  }
0x5b: {  	_ =	shalt  }
0x5c: {  	_ =	shalt  }
0x5d: {  	_ =	shalt  }
0x5e: {  	_ =	shalt  }
0x5f: {  	_ =	shalt  }
0x60: {  	_ =	shalt  }
0x61: {  	_ =	shalt  }
0x62: {  	_ =	shalt  }
0x63: {  	_ =	shalt  }
0x64: {  	_ =	shalt  }
0x65: {  	_ =	shalt  }
0x66: {  	_ =	shalt  }
0x67: {  	_ =	shalt  }
0x68: {  	_ =	shalt  }
0x69: {  	_ =	shalt  }
0x6a: {  	_ =	shalt  }
0x6b: {  	_ =	shalt  }
0x6c: {  	_ =	shalt  }
0x6d: {  	_ =	shalt  }
0x6e: {  	_ =	shalt  }
0x6f: {  	_ =	shalt  }
0x70: {  	_ =	shalt  }
0x71: {  	_ =	shalt  }
0x72: {  	_ =	shalt  }
0x73: {  	_ =	shalt  }
0x74: {  	_ =	shalt  }
0x75: {  	_ =	shalt  }
0x76: {  	_ =	shalt  }
0x77: {  	_ =	shalt  }
0x78: {  	_ =	shalt  }
0x79: {  	_ =	shalt  }
0x7a: {  	_ =	shalt  }
0x7b: {  	_ =	shalt  }
0x7c: {  	_ =	shalt  }
0x7d: {  	_ =	shalt  }
0x7e: {  	_ =	shalt  }
0x7f: {  	_ =	shalt  }
0x80: {  	_ =	shalt  }
0x81: {  	_ =	shalt  }
0x82: {  	_ =	shalt  }
0x83: {  	_ =	shalt  }
0x84: {  	_ =	shalt  }
0x85: {  	_ =	shalt  }
0x86: {  	_ =	shalt  }
0x87: {  	_ =	shalt  }
.Lfunc_end0:
.L_simem_size_0:
called_computation_lowered:
.L_overlay_start_0:
0x88: {  	s2 =	sld [smem:$0x3FD9]  }
0x89: {  	s3 =	sld [smem:$0x3FFE];
	_ =	sdelay $0x1  }
0x8a: {  	s1 =	srdreg.scid  }
0x8b: {  	s0 =	sand.u32 $0x1, s1  }
0x8c: {  	s14 =	sshll.u32 s0, $0xA;
	s2 =	sadd.s32 s3, s2  }
0x8d: {  	s2 =	sadd.s32 s2, s14  }
0x8e: {  	[smem:$0x3FC6] =	sst s2  }
0x8f: {  	_ = 	snop  }
0x90: {  	s2 =	sld [smem:$0x3FD0];
	_ =	sdelay $0x2  }
0x91: {  	s15 =	simm.s32 $0xA;
	s4 =	simm.s32 $0x10  }
0x92: {  	[smem:s4], [sflag:s15] =	dma.local [hbm:s2], $0x1  }
0x93: {  	_ =	swait.eq [sflag:s15], $0x1  }
0x94: {  	[sflag:s15] =	ssyncset.done $0x0  }
0x95: {  	s16 =	sld [smem:$0x10];
	[sflag:s15] =	ssyncadd.s32 $0xFFFFFFFF  }
0x96: {  	s17 =	sld [smem:$0x11];
	(tm) =	ssettm $0x1  }
0x97: {  	s18 =	sld [smem:$0x3FFB];
	_ =	sdelay $0x3  }
0x98: {  	_ =	strace s18  }
0x99: {  	s4 =	sld [smem:$0x3FFC];
	_ =	sdelay $0x3  }
0x9a: {  	_ =	strace s4  }
0x9b: {  	s4 =	sld [smem:$0x3FFD];
	_ =	sdelay $0x3  }
0x9c: {  	_ =	strace s4  }
0x9d: {  	_ =	strace $0x8FFFFFFF  }
0x9e: {  	s19 =	sld [smem:$0x3FDB];
	_ =	sdelay $0x1  }
0x9f: {  	s5 =	simm.s32 $_scs_section_size  }
0xa0: {  	s6 =	simm.s32 $_size__tile_overlayer_lowered;
	s7 =	simm.s32 $_tile_overlayer_lowered  }
0xa1: {  	s22 =	simm.s32 $0x1BFF;
	s21 =	sshll.u32 s7, $0x1;
	s4 =	sadd.s32 s5, s19  }
0xa2: {  	s8 =	simm.s32 $0x0;
	s20 =	sshll.u32 s6, $0x1;
	s6 =	sadd.s32 s21, s4  }
0xa3: {  	[timem:s8], [sflag:s22] =	dma.local [hbm:s6], s20  }
0xa4: {  	_ =	swait.ge [sflag:s22], s20  }
0xa5: {  	s5 =	ssub.s32 $0x0, s20;
	[sflag:s22] =	ssyncset.done $0x0  }
0xa6: {  	[sflag:s22] =	ssyncadd.s32 s5;
	_ =	sdelay $0x1  }
0xa7: {  	s23 =	simm.s32 $0x1B8B  }
0xa8: {  	_ =	swait.ge [sflag:s23], $0x1  }
0xa9: {  	[sflag:s23] =	ssyncset.done $0x0  }
0xaa: {  	s25 =	simm.s32 $0x1B8E;
	s24 =	sld [smem:$0x3FFE];
	[sflag:s23] =	ssyncadd.s32 $0xFFFFFFFF  }
0xab: {  	s26 =	simm.s32 $execute0_lowered;
	[smem:$0x3FD2] =	sst s25  }
0xac: {  	s6 =	sshll.u32 s26, $0x1;
	_ =	strace $0x80000046;
	[dreg:$0x1] =	wrdreg $0xFFFFFFFF  }
0xad: {  	s28 =	simm.s32 $_size_execute0_lowered;
	s4 =	sadd.s32 s4, s6;
	[dreg:$0x0] =	wrdreg $0x0  }
0xae: {  	s6 =	sshll.u32 s28, $0x1;
	[dreg:$0x2] =	wrdreg s4  }
0xaf: {  	[dreg:$0x3] =	wrdreg s6  }
0xb0: {  	[dreg:$0x4] =	wrdreg $0xC0  }
0xb1: {  	_ =	task [dreg:s8], $0x5FFFF  }
0xb2: {  	[dreg:$0x1] =	wrdreg $0xFFFFFFFF  }
0xb3: {  	[dreg:$0x0] =	wrdreg $0x60  }
0xb4: {  	[dreg:$0x2] =	wrdreg s24  }
0xb5: {  	[dreg:$0x3] =	wrdreg s17  }
0xb6: {  	[dreg:$0x4] =	wrdreg s16  }
0xb7: {  	[dreg:$0x5] =	wrdreg $0x9  }
0xb8: {  	_ =	task.clear_ibuf [dreg:s8], $0x6FFFF;
	_ =	strace $0x90000046  }
0xb9: {  	s29 =	simm.s32 $0x9;
	_ =	strace $0x80000048  }
0xba: {  	_ =	swait.ge [sflag:s29], $0x1  }
0xbb: {  	[sflag:s29] =	ssyncadd.s32 $0xFFFFFFFF  }
0xbc: {  	_ =	strace $0x90000048  }
0xbd: {  	_ =	sfence  }
0xbe: {  	s30 =	sld [smem:$0x0];
	_ =	sdelay $0x2  }
0xbf: {  	s31 =	sshll.u32 s1, $0xD;
	s1 =	sshrl.u32 s1, $0x2  }
0xc0: {  	s3 =	sand.u32 $0x4000, s31;
	s1 =	sadd.s32 s1, s30  }
0xc1: {  	s0 =	sor.u32 s3, s0;
	s1 =	sshll.u32 s1, $0x11  }
0xc2: {  	s0 =	sor.u32 s1, s0  }
0xc3: {  	s0 =	sadd.s32 $0x8F2B, s0  }
0xc4: {  	[sflag:s0] =	ssyncadd.remote.s32 $0x1  }
0xc5: {  	_ =	sfence.sel $0xFFFF  }
0xc6: {  	[dreg:$0x0] =	wrdreg $0xFFFFFFFF;
	(pc) =	sbr.abs _section_cstart, $3  }
0xc7: {  	[dreg:$0x1] =	wrdreg $0xFFFFFFFF  }
0xc8: {  	_ =	task.clear_ibuf [dreg:s8], $0x2FFFF;
	_ =	strace $0x9FFFFFFF  }
0xc9: {  	(tm) =	ssettm $0x7FFFFFFF  }
tec
execute0_lowered:
.L_overlay_start_1:
0x0: {  	(tag) =	ssettag $0x1  }
0x1: {  	s5 =	rddreg [dreg:$0x0]  }
0x2: {  	s1 =	srdreg.scid;
	s0 =	stileid.u32  }
0x3: {  	s3 =	rddreg [dreg:$0x1];
	s6 =	sand.u32 $0x1, s1;
	s30 =	sshll.u32 s0, $0x1  }
0x4: {  	s8 =	rddreg [dreg:$0x2];
	s2 =	simm.s32 $0x0;
	s9 =	sor.u32 s6, s30  }
0x5: {  	[smem:$0x7FF] =	sst s2;
	s4 =	smul.u32 $0x24, s9  }
0x6: {  	s1 =	rddreg [dreg:$0x3];
	_ =	strace $0x80000047  }
0x7: {  	s10 =	ssub.s32 $0x2, s6;
	s4 =	sadd.s32 s3, s4;
	s3 =	simm.s32 $0x2  }
0x8: {  	[tilespmem:s2], [sflag:$0x2] =	stream.linear.gather [hbm4b:s4+s2], $0x120, $0x38;
	[tilespmem:$0x4920] =	vst v63  }
0x9: {  	s7 =	simm.s32 $0x1;
	s11 =	sshrl.u32 s10, $0x1;
	_ =	swait.ge [sflag:s3], $0x120  }
0xa: {  	s5 =	sadd.s32 $0x400, s5;
	s10 =	ssub.s32 s10, s11;
	[sflag:s3] =	ssyncset.done $0x0  }
0xb: {  	s6 =	simm.s32 $0x120;
	s31 =	smax.u32 s10, $0x1;
	[sflag:s3] =	ssyncadd.s32 $0xFFFFFEE0  }
0xc: {  	[tilespmem:s6], [sflag:$0x1] =	stream.indirect.gather [hbm4b:s5+s6], $0x40, s2, s6, $0xb8;
	[tilespmem:$0x4920] =	vst v63  }
0xd: {  	s9 =	smul.u32 $0x900, s9;
	p0 =	sne.s32 s31, $0x1;
	_ =	swait.ge [sflag:s7], $0x4800  }
.Ltmp0:
0xe: {  	[sflag:s7] =	ssyncset.done $0x0;
	(pc) =	sbr.rel @!p0 .LBB2_2-.Ltmp0, $4  }
0xf: {  	s8 =	sadd.s32 s8, s9;
	[sflag:s7] =	ssyncadd.s32 $0xFFFFB800  }
0x10: {  	[hbm4b:s8+s2] =	stream.linear.scatter [tilespmem:s6], [sflag:$0x2], $0x4800, $0x38;
	[tilespmem:$0x4920] =	vst v63  }
0x11: {  	_ =	swait.ge [sflag:s3], $0x4800  }
0x12: {  	s9 =	sadd.s32 $0xFFFFFFFF, s31;
	[sflag:s3] =	ssyncset.done $0x0  }
.LBB2_1:
0x13: {  	p0 =	sne.s32 s9, $0x1;
	s9 =	sadd.s32 $0xFFFFFFFF, s9;
	[sflag:s3] =	ssyncadd.s32 $0xFFFFB800  }
0x14: {  	[tilespmem:s2], [sflag:$0x2] =	stream.linear.gather [hbm4b:s4+s2], $0x120, $0x38;
	[tilespmem:$0x4920] =	vst v63  }
0x15: {  	_ =	swait.ge [sflag:s3], $0x120  }
0x16: {  	[sflag:s3] =	ssyncset.done $0x0  }
0x17: {  	[sflag:s3] =	ssyncadd.s32 $0xFFFFFEE0  }
0x18: {  	[tilespmem:s6], [sflag:$0x1] =	stream.indirect.gather [hbm4b:s5+s6], $0x40, s2, s6, $0xb8;
	[tilespmem:$0x4920] =	vst v63  }
0x19: {  	_ =	swait.ge [sflag:s7], $0x4800  }
.Ltmp1:
0x1a: {  	[sflag:s7] =	ssyncset.done $0x0;
	(pc) =	sbr.rel @p0 .LBB2_1-.Ltmp1, $4  }
0x1b: {  	[sflag:s7] =	ssyncadd.s32 $0xFFFFB800  }
0x1c: {  	[hbm4b:s8+s2] =	stream.linear.scatter [tilespmem:s6], [sflag:$0x2], $0x4800, $0x38;
	[tilespmem:$0x4920] =	vst v63  }
0x1d: {  	_ =	swait.ge [sflag:s3], $0x4800  }
0x1e: {  	[sflag:s3] =	ssyncset.done $0x0  }
.LBB2_2:
0x1f: {  	[sflag:s3] =	ssyncadd.s32 $0xFFFFB800  }
0x20: {  	_ =	sfence.sel $0x180000  }
0x21: {  	[bflag:$0x0] =	sbarrier.arrive $0xFFFF  }
0x22: {  	p0 =	sne.s32 s0, $0x0;
	_ =	strace $0x90000047  }
0x23: {  	s0 =	sadd.s32 @!p0 $0x100000, s1;
	[bflag:$0x2] =	sbarrier.arrive $0xFFFF  }
0x24: {  	[sflag:s0] =	ssyncadd.tile.s32 @!p0 $0x1;
	_ =	shalt  }
.Lfunc_end2:
_tile_overlayer_lowered:
.L_overlay_start_2:
0x25: {  	(tag) =	ssettag $0x2  }
0x26: {  	s0 =	rddreg [dreg:$0x0];
	s2 =	stileid.u32  }
0x27: {  	s1 =	rddreg [dreg:$0x1];
	p0 =	sne.s32 s2, $0x0  }
0x28: {  	s3 =	rddreg [dreg:$0x2];
	[bflag:$0x3] =	sbarrier.arrive $0xFFFF;
	s2 =	simm.s32 @!p0 $0x1C02  }
0x29: {  	[timem:s3], [sflag:s2] =	dma.local @!p0 [hbm:s0], s1  }
0x2a: {  	s0 =	simm.s32 @!p0 $0x2  }
0x2b: {  	_ =	swait.ge @!p0 [sflag:s0], s1  }
0x2c: {  	s1 =	ssub.s32 @!p0 $0x0, s1;
	[sflag:s0] =	ssyncset.done @!p0 $0x0  }
0x2d: {  	[sflag:s0] =	ssyncadd.s32 @!p0 s1  }
0x2e: {  	[bflag:$0x3] =	sbarrier.arrive $0xFFFF  }
0x2f: {  	_ =	shalt  }

</sc_bundles>
